<compile_context>
chip_gen: v7x
topology: tpu7x:2x2x1
jax: 0.10.2.dev20260603
libtpu: 0.0.44.dev20260713+nightly
codegen_flags: <defaults>
</compile_context>

<pallas_src>
import functools

import jax
import jax.numpy as jnp
from jax import lax
from jax.experimental import pallas as pl
from jax.experimental.pallas import tpu as pltpu
from jax.experimental.pallas import tpu_sc as plsc

NC = 2
NS = 16
L = 16
NW = NC * NS

E_BLK = 128
NCH = E_BLK // 128


def _sc_partials(x, src1, dst1, w1, n_nodes, d_feat, e_pad):
    e_per_w = e_pad // NW
    nblk = e_per_w // E_BLK
    rpt = (n_nodes // NS) // 8 * 8
    rpt_last = n_nodes - rpt * (NS - 1)

    mesh = plsc.VectorSubcoreMesh(core_axis_name="c", subcore_axis_name="s")

    @functools.partial(
        pl.kernel,
        out_type=jax.ShapeDtypeStruct((NC, n_nodes, d_feat), jnp.float32),
        mesh=mesh,
        scratch_types=[
            pltpu.VMEM_SHARED((n_nodes, d_feat), jnp.float32),
            pltpu.VMEM((E_BLK,), jnp.int32),
            pltpu.VMEM((NCH, 128), jnp.int32),
            pltpu.VMEM((E_BLK,), jnp.float32),
            pltpu.VMEM((E_BLK, d_feat), jnp.float32),
            pltpu.SemaphoreType.DMA,
        ],
    )
    def sc_kernel(x_hbm, src_hbm, dst_hbm, w_hbm, out_hbm,
                  acc, src_v, dst_v, w_v, rows_v, sem):
        cid = lax.axis_index("c")
        sid = lax.axis_index("s")
        wid = sid * NC + cid

        zero = jnp.zeros((L,), jnp.float32)

        def zrow(r, carry):
            for c in range(d_feat // L):
                rows_v[r, pl.ds(c * L, L)] = zero
            return carry

        lax.fori_loop(0, E_BLK, zrow, 0)
        zbase = sid * rpt
        off = 0
        while off < rpt_last:
            n = min(E_BLK, rpt_last - off)
            pltpu.sync_copy(rows_v.at[pl.ds(0, n)],
                            acc.at[pl.ds(zbase + off, n)])
            off += n
        plsc.subcore_barrier()

        def block_body(b, carry):
            ebase = wid * e_per_w + b * E_BLK
            pltpu.sync_copy(src_hbm.at[pl.ds(ebase, E_BLK)], src_v)
            for j in range(NCH):
                pltpu.sync_copy(dst_hbm.at[pl.ds(ebase + j * 128, 128)],
                                dst_v.at[j])
            pltpu.sync_copy(w_hbm.at[pl.ds(ebase, E_BLK)], w_v)

            dnums = lax.GatherDimensionNumbers(
                offset_dims=(), collapsed_slice_dims=(0,),
                start_index_map=(0,))

            def edge_body(g, carry2):
                w16 = w_v[pl.ds(g * L, L)]
                for j in range(L):
                    wvec = lax.gather(
                        w16, jnp.full((L, 1), j, jnp.int32), dnums,
                        slice_sizes=(1,),
                        mode=lax.GatherScatterMode.PROMISE_IN_BOUNDS)
                    e = g * L + j
                    for c in range(d_feat // L):
                        rows_v[e, pl.ds(c * L, L)] = (
                            rows_v[e, pl.ds(c * L, L)] * wvec)
                return carry2


            return carry

        lax.fori_loop(0, nblk, block_body, 0)

        plsc.subcore_barrier()
        pltpu.sync_copy(acc.at[pl.ds(zbase, rpt_last)],
                        out_hbm.at[cid, pl.ds(zbase, rpt_last)])

    return sc_kernel(x, src1, dst1, w1)


def _tc_sum(partials, n_nodes, d_feat):
    blk = 1000

    def body(p_ref, o_ref):
        o_ref[...] = p_ref[0] + p_ref[1]

    return pl.pallas_call(
        body,
        out_shape=jax.ShapeDtypeStruct((n_nodes, d_feat), jnp.float32),
        grid=(n_nodes // blk,),
        in_specs=[pl.BlockSpec((NC, blk, d_feat), lambda i: (0, i, 0))],
        out_specs=pl.BlockSpec((blk, d_feat), lambda i: (i, 0)),
    )(partials)


def kernel(x, edge_index, edge_weight, n_nodes):
    n_nodes_s, d_feat = x.shape
    n_edges = edge_index.shape[1]
    e_pad = ((n_edges + NW * E_BLK - 1) // (NW * E_BLK)) * (NW * E_BLK)
    pad = e_pad - n_edges

    src = edge_index[0].astype(jnp.int32)
    dst = edge_index[1].astype(jnp.int32)
    w = edge_weight.astype(jnp.float32)
    if pad:
        zi = jnp.zeros((pad,), jnp.int32)
        src = jnp.concatenate([src, zi])
        dst = jnp.concatenate([dst, zi])
        w = jnp.concatenate([w, jnp.zeros((pad,), jnp.float32)])
    partials = _sc_partials(x, src, dst, w, n_nodes_s, d_feat, e_pad)
    return _tc_sum(partials, n_nodes_s, d_feat)

# --- scband reference (transcript-rebuilt; emitter-appended) ---
"""Pipeline reference for scband-light-gcnlayer-65137474011642 (READ-ONLY COPY).

The authoritative reference and input builder live on the scoring server;
editing this copy changes nothing except your own understanding.
"""

import jax, jax.numpy as jnp
import numpy as np


def setup_inputs(seed: int = 0) -> dict:
    key = jax.random.key(seed)
    k_x, k_ei, k_ew = jax.random.split(key, 3)
    n_nodes = 10000
    n_edges = 320000
    d_feat = 128
    x = jax.random.normal(k_x, (n_nodes, d_feat), dtype=jnp.float32)
    edge_index = jax.random.randint(k_ei, (2, n_edges), 0, n_nodes, dtype=jnp.int64)
    edge_weight = jax.random.uniform(k_ew, (n_edges,), dtype=jnp.float32)
    return {"x": x, "edge_index": edge_index, "edge_weight": edge_weight, "n_nodes": n_nodes}


def reference(x, edge_index, edge_weight, n_nodes):
    # LightGCN propagation: h_v = sum_{u in N(v)} w_uv * h_u
    if edge_index.shape[1] == 0:
        return x
    src = edge_index[0]
    dst = edge_index[1]
    msg = jnp.take(x, src, axis=0) * edge_weight[:, None]
    out = jnp.zeros_like(x).at[dst].add(msg)
    return out

if __name__ == "__main__":
    import jax
    _d = setup_inputs()
    print(jax.jit(kernel)(*tuple(_d.values())))

</pallas_src>

<mosaic_0001>
#map = affine_map<(d0, d1) -> (0, 0)>
#map1 = affine_map<(d0, d1) -> (0)>
#map2 = affine_map<(d0, d1) -> (0, 0, 0)>
module attributes {stable_mosaic.version = 14 : i64} {
  func.func @sc_kernel(%arg0: i32, %arg1: i32, %arg2: memref<10000x128xf32, #tpu.memory_space<hbm>>, %arg3: memref<323584xi32, #tpu.memory_space<hbm>>, %arg4: memref<323584xi32, #tpu.memory_space<hbm>>, %arg5: memref<323584xf32, #tpu.memory_space<hbm>>, %arg6: memref<2x10000x128xf32, #tpu.memory_space<hbm>>, %arg7: memref<10000x128xf32, #tpu.memory_space<vmem_shared>>, %arg8: memref<128xi32, #tpu.memory_space<vmem>>, %arg9: memref<1x128xi32, #tpu.memory_space<vmem>>, %arg10: memref<128xf32, #tpu.memory_space<vmem>>, %arg11: memref<128x128xf32, #tpu.memory_space<vmem>>, %arg12: memref<!tpu.dma_semaphore, #tpu.memory_space<semaphore_mem>>) attributes {dimension_semantics = [#tpu.dimension_semantics<core_parallel>, #tpu.dimension_semantics<subcore_parallel>], iteration_bounds = array<i64: 2, 16>, scalar_prefetch = 0 : i64, scratch_operands = 6 : i64, tpu.core_type = #tpu.core_type<sc_vector_subcore>, window_params = [{transform_indices = #map}, {transform_indices = #map1}, {transform_indices = #map1}, {transform_indices = #map1}, {transform_indices = #map2}]} {
    %mul3A = arith.constant 2 : i32
    %mul3A_0 = arith.muli %arg1, %mul3A : i32
    %add3A = arith.addi %mul3A_0, %arg0 : i32
    %broadcast_in_dim3A = arith.constant 0.000000e+00 : f32
    %broadcast_in_dim3A_1 = vector.broadcast %broadcast_in_dim3A : f32 to vector<16xf32>
    %scan3A = arith.constant 0 : i32
    %scan3A_2 = arith.constant 0 : i32
    %scan3A_3 = arith.constant 128 : i32
    %scan3A_4 = arith.addi %scan3A_2, %scan3A_3 : i32
    %scan3A_5 = arith.constant 1 : i32
    scf.for %scan3A_26 = %scan3A_2 to %scan3A_4 step %scan3A_5  : i32 {
      %swap3A = arith.index_cast %scan3A_26 : i32 to index
      %swap3A_27 = arith.constant 0 : index
      %swap3A_28 = tpu.vector_load %arg11[%swap3A, %swap3A_27] {strides = array<i32>} : memref<128x128xf32, #tpu.memory_space<vmem>>, vector<1x16xf32>,
      %swap3A_29 = vector.shape_cast %swap3A_28 : vector<1x16xf32> to vector<16xf32>
      %swap3A_30 = vector.shape_cast %broadcast_in_dim3A_1 : vector<16xf32> to vector<1x16xf32>
      tpu.vector_store %arg11[%swap3A, %swap3A_27], %swap3A_30 {strides = array<i32>} : memref<128x128xf32, #tpu.memory_space<vmem>>, vector<1x16xf32>,
      %swap3A_31 = arith.index_cast %scan3A_26 : i32 to index
      %swap3A_32 = arith.constant 16 : index
      %swap3A_33 = tpu.vector_load %arg11[%swap3A_31, %swap3A_32] {strides = array<i32>} : memref<128x128xf32, #tpu.memory_space<vmem>>, vector<1x16xf32>,
      %swap3A_34 = vector.shape_cast %swap3A_33 : vector<1x16xf32> to vector<16xf32>
      %swap3A_35 = vector.shape_cast %broadcast_in_dim3A_1 : vector<16xf32> to vector<1x16xf32>
      tpu.vector_store %arg11[%swap3A_31, %swap3A_32], %swap3A_35 {strides = array<i32>} : memref<128x128xf32, #tpu.memory_space<vmem>>, vector<1x16xf32>,
      %swap3A_36 = arith.index_cast %scan3A_26 : i32 to index
      %swap3A_37 = arith.constant 32 : index
      %swap3A_38 = tpu.vector_load %arg11[%swap3A_36, %swap3A_37] {strides = array<i32>} : memref<128x128xf32, #tpu.memory_space<vmem>>, vector<1x16xf32>,
      %swap3A_39 = vector.shape_cast %swap3A_38 : vector<1x16xf32> to vector<16xf32>
      %swap3A_40 = vector.shape_cast %broadcast_in_dim3A_1 : vector<16xf32> to vector<1x16xf32>
      tpu.vector_store %arg11[%swap3A_36, %swap3A_37], %swap3A_40 {strides = array<i32>} : memref<128x128xf32, #tpu.memory_space<vmem>>, vector<1x16xf32>,
      %swap3A_41 = arith.index_cast %scan3A_26 : i32 to index
      %swap3A_42 = arith.constant 48 : index
      %swap3A_43 = tpu.vector_load %arg11[%swap3A_41, %swap3A_42] {strides = array<i32>} : memref<128x128xf32, #tpu.memory_space<vmem>>, vector<1x16xf32>,
      %swap3A_44 = vector.shape_cast %swap3A_43 : vector<1x16xf32> to vector<16xf32>
      %swap3A_45 = vector.shape_cast %broadcast_in_dim3A_1 : vector<16xf32> to vector<1x16xf32>
      tpu.vector_store %arg11[%swap3A_41, %swap3A_42], %swap3A_45 {strides = array<i32>} : memref<128x128xf32, #tpu.memory_space<vmem>>, vector<1x16xf32>,
      %swap3A_46 = arith.index_cast %scan3A_26 : i32 to index
      %swap3A_47 = arith.constant 64 : index
      %swap3A_48 = tpu.vector_load %arg11[%swap3A_46, %swap3A_47] {strides = array<i32>} : memref<128x128xf32, #tpu.memory_space<vmem>>, vector<1x16xf32>,
      %swap3A_49 = vector.shape_cast %swap3A_48 : vector<1x16xf32> to vector<16xf32>
      %swap3A_50 = vector.shape_cast %broadcast_in_dim3A_1 : vector<16xf32> to vector<1x16xf32>
      tpu.vector_store %arg11[%swap3A_46, %swap3A_47], %swap3A_50 {strides = array<i32>} : memref<128x128xf32, #tpu.memory_space<vmem>>, vector<1x16xf32>,
      %swap3A_51 = arith.index_cast %scan3A_26 : i32 to index
      %swap3A_52 = arith.constant 80 : index
      %swap3A_53 = tpu.vector_load %arg11[%swap3A_51, %swap3A_52] {strides = array<i32>} : memref<128x128xf32, #tpu.memory_space<vmem>>, vector<1x16xf32>,
      %swap3A_54 = vector.shape_cast %swap3A_53 : vector<1x16xf32> to vector<16xf32>
      %swap3A_55 = vector.shape_cast %broadcast_in_dim3A_1 : vector<16xf32> to vector<1x16xf32>
      tpu.vector_store %arg11[%swap3A_51, %swap3A_52], %swap3A_55 {strides = array<i32>} : memref<128x128xf32, #tpu.memory_space<vmem>>, vector<1x16xf32>,
      %swap3A_56 = arith.index_cast %scan3A_26 : i32 to index
      %swap3A_57 = arith.constant 96 : index
      %swap3A_58 = tpu.vector_load %arg11[%swap3A_56, %swap3A_57] {strides = array<i32>} : memref<128x128xf32, #tpu.memory_space<vmem>>, vector<1x16xf32>,
      %swap3A_59 = vector.shape_cast %swap3A_58 : vector<1x16xf32> to vector<16xf32>
      %swap3A_60 = vector.shape_cast %broadcast_in_dim3A_1 : vector<16xf32> to vector<1x16xf32>
      tpu.vector_store %arg11[%swap3A_56, %swap3A_57], %swap3A_60 {strides = array<i32>} : memref<128x128xf32, #tpu.memory_space<vmem>>, vector<1x16xf32>,
      %swap3A_61 = arith.index_cast %scan3A_26 : i32 to index
      %swap3A_62 = arith.constant 112 : index
      %swap3A_63 = tpu.vector_load %arg11[%swap3A_61, %swap3A_62] {strides = array<i32>} : memref<128x128xf32, #tpu.memory_space<vmem>>, vector<1x16xf32>,
      %swap3A_64 = vector.shape_cast %swap3A_63 : vector<1x16xf32> to vector<16xf32>
      %swap3A_65 = vector.shape_cast %broadcast_in_dim3A_1 : vector<16xf32> to vector<1x16xf32>
      tpu.vector_store %arg11[%swap3A_61, %swap3A_62], %swap3A_65 {strides = array<i32>} : memref<128x128xf32, #tpu.memory_space<vmem>>, vector<1x16xf32>,
    }
    %scan3A_6 = arith.constant 128 : i32
    %mul3A_7 = arith.constant 624 : i32
    %mul3A_8 = arith.muli %arg1, %mul3A_7 : i32
    %add3A_9 = arith.constant 0 : i32
    %add3A_10 = arith.addi %mul3A_8, %add3A_9 : i32
    "tpu.region"() ({
      %run_scoped3A = tpu.sem_alloc : memref<!tpu.dma_semaphore, #tpu.memory_space<semaphore_mem>>
      %dma_start3A = arith.constant 0 : i32
      %dma_start3A_26 = arith.constant 0 : i32
      %dma_start3A_27 = tpu.memref_slice %arg11[%dma_start3A, %dma_start3A_26] : memref<128x128xf32, #tpu.memory_space<vmem>> -> memref<128x128xf32, #tpu.memory_space<vmem>>
      %dma_start3A_28 = arith.constant 0 : i32
      %dma_start3A_29 = tpu.memref_slice %arg7[%add3A_10, %dma_start3A_28] : memref<10000x128xf32, #tpu.memory_space<vmem_shared>> -> memref<128x128xf32, #tpu.memory_space<vmem_shared>>
      %dma_start3A_30 = arith.constant 0 : i32
      %dma_start3A_31 = tpu.memref_slice %arg7[%add3A_10, %dma_start3A_30] : memref<10000x128xf32, #tpu.memory_space<vmem_shared>> -> memref<128x128xf32, #tpu.memory_space<vmem_shared>>
      %dma_start3A_32 = arith.constant 0 : i32
      %dma_start3A_33 = arith.constant 0 : i32
      %dma_start3A_34 = tpu.memref_slice %arg11[%dma_start3A_32, %dma_start3A_33] : memref<128x128xf32, #tpu.memory_space<vmem>> -> memref<128x128xf32, #tpu.memory_space<vmem>>
      tpu.enqueue_dma source(%dma_start3A_34 : memref<128x128xf32, #tpu.memory_space<vmem>>) target(%dma_start3A_31 : memref<128x128xf32, #tpu.memory_space<vmem_shared>>) target_semaphore(%run_scoped3A : memref<!tpu.dma_semaphore, #tpu.memory_space<semaphore_mem>>)
      %dma_wait3A = arith.constant 0 : i32
      %dma_wait3A_35 = arith.constant 0 : i32
      %dma_wait3A_36 = tpu.memref_slice %arg11[%dma_wait3A, %dma_wait3A_35] : memref<128x128xf32, #tpu.memory_space<vmem>> -> memref<128x128xf32, #tpu.memory_space<vmem>>
      %dma_wait3A_37 = arith.constant 0 : i32
      %dma_wait3A_38 = tpu.memref_slice %arg7[%add3A_10, %dma_wait3A_37] : memref<10000x128xf32, #tpu.memory_space<vmem_shared>> -> memref<128x128xf32, #tpu.memory_space<vmem_shared>>
      %dma_wait3A_39 = arith.constant 0 : i32
      %dma_wait3A_40 = tpu.memref_slice %arg7[%add3A_10, %dma_wait3A_39] : memref<10000x128xf32, #tpu.memory_space<vmem_shared>> -> memref<128x128xf32, #tpu.memory_space<vmem_shared>>
      %dma_wait3A_41 = arith.constant 0 : i32
      %dma_wait3A_42 = arith.constant 0 : i32
      %dma_wait3A_43 = tpu.memref_slice %arg11[%dma_wait3A_41, %dma_wait3A_42] : memref<128x128xf32, #tpu.memory_space<vmem>> -> memref<128x128xf32, #tpu.memory_space<vmem>>
      tpu.wait_dma2 semaphore(%run_scoped3A : memref<!tpu.dma_semaphore, #tpu.memory_space<semaphore_mem>>) src(%dma_wait3A_43 : memref<128x128xf32, #tpu.memory_space<vmem>>) dst(%dma_wait3A_40 : memref<128x128xf32, #tpu.memory_space<vmem_shared>>)
      tpu.yield
    }) : () -> ()
    %add3A_11 = arith.constant 128 : i32
    %add3A_12 = arith.addi %mul3A_8, %add3A_11 : i32
    "tpu.region"() ({
      %run_scoped3A = tpu.sem_alloc : memref<!tpu.dma_semaphore, #tpu.memory_space<semaphore_mem>>
      %dma_start3A = arith.constant 0 : i32
      %dma_start3A_26 = arith.constant 0 : i32
      %dma_start3A_27 = tpu.memref_slice %arg11[%dma_start3A, %dma_start3A_26] : memref<128x128xf32, #tpu.memory_space<vmem>> -> memref<128x128xf32, #tpu.memory_space<vmem>>
      %dma_start3A_28 = arith.constant 0 : i32
      %dma_start3A_29 = tpu.memref_slice %arg7[%add3A_12, %dma_start3A_28] : memref<10000x128xf32, #tpu.memory_space<vmem_shared>> -> memref<128x128xf32, #tpu.memory_space<vmem_shared>>
      %dma_start3A_30 = arith.constant 0 : i32
      %dma_start3A_31 = tpu.memref_slice %arg7[%add3A_12, %dma_start3A_30] : memref<10000x128xf32, #tpu.memory_space<vmem_shared>> -> memref<128x128xf32, #tpu.memory_space<vmem_shared>>
      %dma_start3A_32 = arith.constant 0 : i32
      %dma_start3A_33 = arith.constant 0 : i32
      %dma_start3A_34 = tpu.memref_slice %arg11[%dma_start3A_32, %dma_start3A_33] : memref<128x128xf32, #tpu.memory_space<vmem>> -> memref<128x128xf32, #tpu.memory_space<vmem>>
      tpu.enqueue_dma source(%dma_start3A_34 : memref<128x128xf32, #tpu.memory_space<vmem>>) target(%dma_start3A_31 : memref<128x128xf32, #tpu.memory_space<vmem_shared>>) target_semaphore(%run_scoped3A : memref<!tpu.dma_semaphore, #tpu.memory_space<semaphore_mem>>)
      %dma_wait3A = arith.constant 0 : i32
      %dma_wait3A_35 = arith.constant 0 : i32
      %dma_wait3A_36 = tpu.memref_slice %arg11[%dma_wait3A, %dma_wait3A_35] : memref<128x128xf32, #tpu.memory_space<vmem>> -> memref<128x128xf32, #tpu.memory_space<vmem>>
      %dma_wait3A_37 = arith.constant 0 : i32
      %dma_wait3A_38 = tpu.memref_slice %arg7[%add3A_12, %dma_wait3A_37] : memref<10000x128xf32, #tpu.memory_space<vmem_shared>> -> memref<128x128xf32, #tpu.memory_space<vmem_shared>>
      %dma_wait3A_39 = arith.constant 0 : i32
      %dma_wait3A_40 = tpu.memref_slice %arg7[%add3A_12, %dma_wait3A_39] : memref<10000x128xf32, #tpu.memory_space<vmem_shared>> -> memref<128x128xf32, #tpu.memory_space<vmem_shared>>
      %dma_wait3A_41 = arith.constant 0 : i32
      %dma_wait3A_42 = arith.constant 0 : i32
      %dma_wait3A_43 = tpu.memref_slice %arg11[%dma_wait3A_41, %dma_wait3A_42] : memref<128x128xf32, #tpu.memory_space<vmem>> -> memref<128x128xf32, #tpu.memory_space<vmem>>
      tpu.wait_dma2 semaphore(%run_scoped3A : memref<!tpu.dma_semaphore, #tpu.memory_space<semaphore_mem>>) src(%dma_wait3A_43 : memref<128x128xf32, #tpu.memory_space<vmem>>) dst(%dma_wait3A_40 : memref<128x128xf32, #tpu.memory_space<vmem_shared>>)
      tpu.yield
    }) : () -> ()
    %add3A_13 = arith.constant 256 : i32
    %add3A_14 = arith.addi %mul3A_8, %add3A_13 : i32
    "tpu.region"() ({
      %run_scoped3A = tpu.sem_alloc : memref<!tpu.dma_semaphore, #tpu.memory_space<semaphore_mem>>
      %dma_start3A = arith.constant 0 : i32
      %dma_start3A_26 = arith.constant 0 : i32
      %dma_start3A_27 = tpu.memref_slice %arg11[%dma_start3A, %dma_start3A_26] : memref<128x128xf32, #tpu.memory_space<vmem>> -> memref<128x128xf32, #tpu.memory_space<vmem>>
      %dma_start3A_28 = arith.constant 0 : i32
      %dma_start3A_29 = tpu.memref_slice %arg7[%add3A_14, %dma_start3A_28] : memref<10000x128xf32, #tpu.memory_space<vmem_shared>> -> memref<128x128xf32, #tpu.memory_space<vmem_shared>>
      %dma_start3A_30 = arith.constant 0 : i32
      %dma_start3A_31 = tpu.memref_slice %arg7[%add3A_14, %dma_start3A_30] : memref<10000x128xf32, #tpu.memory_space<vmem_shared>> -> memref<128x128xf32, #tpu.memory_space<vmem_shared>>
      %dma_start3A_32 = arith.constant 0 : i32
      %dma_start3A_33 = arith.constant 0 : i32
      %dma_start3A_34 = tpu.memref_slice %arg11[%dma_start3A_32, %dma_start3A_33] : memref<128x128xf32, #tpu.memory_space<vmem>> -> memref<128x128xf32, #tpu.memory_space<vmem>>
      tpu.enqueue_dma source(%dma_start3A_34 : memref<128x128xf32, #tpu.memory_space<vmem>>) target(%dma_start3A_31 : memref<128x128xf32, #tpu.memory_space<vmem_shared>>) target_semaphore(%run_scoped3A : memref<!tpu.dma_semaphore, #tpu.memory_space<semaphore_mem>>)
      %dma_wait3A = arith.constant 0 : i32
      %dma_wait3A_35 = arith.constant 0 : i32
      %dma_wait3A_36 = tpu.memref_slice %arg11[%dma_wait3A, %dma_wait3A_35] : memref<128x128xf32, #tpu.memory_space<vmem>> -> memref<128x128xf32, #tpu.memory_space<vmem>>
      %dma_wait3A_37 = arith.constant 0 : i32
      %dma_wait3A_38 = tpu.memref_slice %arg7[%add3A_14, %dma_wait3A_37] : memref<10000x128xf32, #tpu.memory_space<vmem_shared>> -> memref<128x128xf32, #tpu.memory_space<vmem_shared>>
      %dma_wait3A_39 = arith.constant 0 : i32
      %dma_wait3A_40 = tpu.memref_slice %arg7[%add3A_14, %dma_wait3A_39] : memref<10000x128xf32, #tpu.memory_space<vmem_shared>> -> memref<128x128xf32, #tpu.memory_space<vmem_shared>>
      %dma_wait3A_41 = arith.constant 0 : i32
      %dma_wait3A_42 = arith.constant 0 : i32
      %dma_wait3A_43 = tpu.memref_slice %arg11[%dma_wait3A_41, %dma_wait3A_42] : memref<128x128xf32, #tpu.memory_space<vmem>> -> memref<128x128xf32, #tpu.memory_space<vmem>>
      tpu.wait_dma2 semaphore(%run_scoped3A : memref<!tpu.dma_semaphore, #tpu.memory_space<semaphore_mem>>) src(%dma_wait3A_43 : memref<128x128xf32, #tpu.memory_space<vmem>>) dst(%dma_wait3A_40 : memref<128x128xf32, #tpu.memory_space<vmem_shared>>)
      tpu.yield
    }) : () -> ()
    %add3A_15 = arith.constant 384 : i32
    %add3A_16 = arith.addi %mul3A_8, %add3A_15 : i32
    "tpu.region"() ({
      %run_scoped3A = tpu.sem_alloc : memref<!tpu.dma_semaphore, #tpu.memory_space<semaphore_mem>>
      %dma_start3A = arith.constant 0 : i32
      %dma_start3A_26 = arith.constant 0 : i32
      %dma_start3A_27 = tpu.memref_slice %arg11[%dma_start3A, %dma_start3A_26] : memref<128x128xf32, #tpu.memory_space<vmem>> -> memref<128x128xf32, #tpu.memory_space<vmem>>
      %dma_start3A_28 = arith.constant 0 : i32
      %dma_start3A_29 = tpu.memref_slice %arg7[%add3A_16, %dma_start3A_28] : memref<10000x128xf32, #tpu.memory_space<vmem_shared>> -> memref<128x128xf32, #tpu.memory_space<vmem_shared>>
      %dma_start3A_30 = arith.constant 0 : i32
      %dma_start3A_31 = tpu.memref_slice %arg7[%add3A_16, %dma_start3A_30] : memref<10000x128xf32, #tpu.memory_space<vmem_shared>> -> memref<128x128xf32, #tpu.memory_space<vmem_shared>>
      %dma_start3A_32 = arith.constant 0 : i32
      %dma_start3A_33 = arith.constant 0 : i32
      %dma_start3A_34 = tpu.memref_slice %arg11[%dma_start3A_32, %dma_start3A_33] : memref<128x128xf32, #tpu.memory_space<vmem>> -> memref<128x128xf32, #tpu.memory_space<vmem>>
      tpu.enqueue_dma source(%dma_start3A_34 : memref<128x128xf32, #tpu.memory_space<vmem>>) target(%dma_start3A_31 : memref<128x128xf32, #tpu.memory_space<vmem_shared>>) target_semaphore(%run_scoped3A : memref<!tpu.dma_semaphore, #tpu.memory_space<semaphore_mem>>)
      %dma_wait3A = arith.constant 0 : i32
      %dma_wait3A_35 = arith.constant 0 : i32
      %dma_wait3A_36 = tpu.memref_slice %arg11[%dma_wait3A, %dma_wait3A_35] : memref<128x128xf32, #tpu.memory_space<vmem>> -> memref<128x128xf32, #tpu.memory_space<vmem>>
      %dma_wait3A_37 = arith.constant 0 : i32
      %dma_wait3A_38 = tpu.memref_slice %arg7[%add3A_16, %dma_wait3A_37] : memref<10000x128xf32, #tpu.memory_space<vmem_shared>> -> memref<128x128xf32, #tpu.memory_space<vmem_shared>>
      %dma_wait3A_39 = arith.constant 0 : i32
      %dma_wait3A_40 = tpu.memref_slice %arg7[%add3A_16, %dma_wait3A_39] : memref<10000x128xf32, #tpu.memory_space<vmem_shared>> -> memref<128x128xf32, #tpu.memory_space<vmem_shared>>
      %dma_wait3A_41 = arith.constant 0 : i32
      %dma_wait3A_42 = arith.constant 0 : i32
      %dma_wait3A_43 = tpu.memref_slice %arg11[%dma_wait3A_41, %dma_wait3A_42] : memref<128x128xf32, #tpu.memory_space<vmem>> -> memref<128x128xf32, #tpu.memory_space<vmem>>
      tpu.wait_dma2 semaphore(%run_scoped3A : memref<!tpu.dma_semaphore, #tpu.memory_space<semaphore_mem>>) src(%dma_wait3A_43 : memref<128x128xf32, #tpu.memory_space<vmem>>) dst(%dma_wait3A_40 : memref<128x128xf32, #tpu.memory_space<vmem_shared>>)
      tpu.yield
    }) : () -> ()
    %add3A_17 = arith.constant 512 : i32
    %add3A_18 = arith.addi %mul3A_8, %add3A_17 : i32
    "tpu.region"() ({
      %run_scoped3A = tpu.sem_alloc : memref<!tpu.dma_semaphore, #tpu.memory_space<semaphore_mem>>
      %dma_start3A = arith.constant 0 : i32
      %dma_start3A_26 = arith.constant 0 : i32
      %dma_start3A_27 = tpu.memref_slice %arg11[%dma_start3A, %dma_start3A_26] : memref<128x128xf32, #tpu.memory_space<vmem>> -> memref<128x128xf32, #tpu.memory_space<vmem>>
      %dma_start3A_28 = arith.constant 0 : i32
      %dma_start3A_29 = tpu.memref_slice %arg7[%add3A_18, %dma_start3A_28] : memref<10000x128xf32, #tpu.memory_space<vmem_shared>> -> memref<128x128xf32, #tpu.memory_space<vmem_shared>>
      %dma_start3A_30 = arith.constant 0 : i32
      %dma_start3A_31 = tpu.memref_slice %arg7[%add3A_18, %dma_start3A_30] : memref<10000x128xf32, #tpu.memory_space<vmem_shared>> -> memref<128x128xf32, #tpu.memory_space<vmem_shared>>
      %dma_start3A_32 = arith.constant 0 : i32
      %dma_start3A_33 = arith.constant 0 : i32
      %dma_start3A_34 = tpu.memref_slice %arg11[%dma_start3A_32, %dma_start3A_33] : memref<128x128xf32, #tpu.memory_space<vmem>> -> memref<128x128xf32, #tpu.memory_space<vmem>>
      tpu.enqueue_dma source(%dma_start3A_34 : memref<128x128xf32, #tpu.memory_space<vmem>>) target(%dma_start3A_31 : memref<128x128xf32, #tpu.memory_space<vmem_shared>>) target_semaphore(%run_scoped3A : memref<!tpu.dma_semaphore, #tpu.memory_space<semaphore_mem>>)
      %dma_wait3A = arith.constant 0 : i32
      %dma_wait3A_35 = arith.constant 0 : i32
      %dma_wait3A_36 = tpu.memref_slice %arg11[%dma_wait3A, %dma_wait3A_35] : memref<128x128xf32, #tpu.memory_space<vmem>> -> memref<128x128xf32, #tpu.memory_space<vmem>>
      %dma_wait3A_37 = arith.constant 0 : i32
      %dma_wait3A_38 = tpu.memref_slice %arg7[%add3A_18, %dma_wait3A_37] : memref<10000x128xf32, #tpu.memory_space<vmem_shared>> -> memref<128x128xf32, #tpu.memory_space<vmem_shared>>
      %dma_wait3A_39 = arith.constant 0 : i32
      %dma_wait3A_40 = tpu.memref_slice %arg7[%add3A_18, %dma_wait3A_39] : memref<10000x128xf32, #tpu.memory_space<vmem_shared>> -> memref<128x128xf32, #tpu.memory_space<vmem_shared>>
      %dma_wait3A_41 = arith.constant 0 : i32
      %dma_wait3A_42 = arith.constant 0 : i32
      %dma_wait3A_43 = tpu.memref_slice %arg11[%dma_wait3A_41, %dma_wait3A_42] : memref<128x128xf32, #tpu.memory_space<vmem>> -> memref<128x128xf32, #tpu.memory_space<vmem>>
      tpu.wait_dma2 semaphore(%run_scoped3A : memref<!tpu.dma_semaphore, #tpu.memory_space<semaphore_mem>>) src(%dma_wait3A_43 : memref<128x128xf32, #tpu.memory_space<vmem>>) dst(%dma_wait3A_40 : memref<128x128xf32, #tpu.memory_space<vmem_shared>>)
      tpu.yield
    }) : () -> ()
    %barrier3A = arith.constant 0 : index
    tpu.barrier barrier_id(%barrier3A)
    %scan3A_19 = arith.constant 0 : i32
    %scan3A_20 = arith.constant 0 : i32
    %scan3A_21 = arith.constant 79 : i32
    %scan3A_22 = arith.addi %scan3A_20, %scan3A_21 : i32
    %scan3A_23 = arith.constant 1 : i32
    scf.for %scan3A_26 = %scan3A_20 to %scan3A_22 step %scan3A_23  : i32 {
      %mul3A_27 = arith.constant 10112 : i32
      %mul3A_28 = arith.muli %add3A, %mul3A_27 : i32
      %mul3A_29 = arith.constant 128 : i32
      %mul3A_30 = arith.muli %scan3A_26, %mul3A_29 : i32
      %add3A_31 = arith.addi %mul3A_28, %mul3A_30 : i32
      "tpu.region"() ({
        %run_scoped3A_34 = tpu.sem_alloc : memref<!tpu.dma_semaphore, #tpu.memory_space<semaphore_mem>>
        %dma_start3A = tpu.memref_slice %arg3[%add3A_31] : memref<323584xi32, #tpu.memory_space<hbm>> -> memref<128xi32, #tpu.memory_space<hbm>>
        %dma_start3A_35 = tpu.memref_slice %arg3[%add3A_31] : memref<323584xi32, #tpu.memory_space<hbm>> -> memref<128xi32, #tpu.memory_space<hbm>>
        tpu.enqueue_dma source(%dma_start3A_35 : memref<128xi32, #tpu.memory_space<hbm>>) target(%arg8 : memref<128xi32, #tpu.memory_space<vmem>>) target_semaphore(%run_scoped3A_34 : memref<!tpu.dma_semaphore, #tpu.memory_space<semaphore_mem>>)
        %dma_wait3A = tpu.memref_slice %arg3[%add3A_31] : memref<323584xi32, #tpu.memory_space<hbm>> -> memref<128xi32, #tpu.memory_space<hbm>>
        %dma_wait3A_36 = tpu.memref_slice %arg3[%add3A_31] : memref<323584xi32, #tpu.memory_space<hbm>> -> memref<128xi32, #tpu.memory_space<hbm>>
        tpu.wait_dma2 semaphore(%run_scoped3A_34 : memref<!tpu.dma_semaphore, #tpu.memory_space<semaphore_mem>>) src(%dma_wait3A_36 : memref<128xi32, #tpu.memory_space<hbm>>) dst(%arg8 : memref<128xi32, #tpu.memory_space<vmem>>)
        tpu.yield
      }) : () -> ()
      %add3A_32 = arith.constant 0 : i32
      %add3A_33 = arith.addi %add3A_31, %add3A_32 : i32
      %run_scoped3A = arith.constant 0 : i32
      "tpu.region"() ({
        %run_scoped3A_34 = tpu.sem_alloc : memref<!tpu.dma_semaphore, #tpu.memory_space<semaphore_mem>>
        %dma_start3A = arith.constant 0 : i32
        %dma_start3A_35 = tpu.memref_slice %arg9[%run_scoped3A, %dma_start3A] : memref<1x128xi32, #tpu.memory_space<vmem>> -> memref<1x128xi32, #tpu.memory_space<vmem>>
        %dma_start3A_36 = tpu.memref_squeeze %dma_start3A_35 : memref<1x128xi32, #tpu.memory_space<vmem>> -> memref<128xi32, #tpu.memory_space<vmem>>
        %dma_start3A_37 = tpu.memref_slice %arg4[%add3A_33] : memref<323584xi32, #tpu.memory_space<hbm>> -> memref<128xi32, #tpu.memory_space<hbm>>
        %dma_start3A_38 = arith.constant 0 : i32
        %dma_start3A_39 = tpu.memref_slice %arg9[%run_scoped3A, %dma_start3A_38] : memref<1x128xi32, #tpu.memory_space<vmem>> -> memref<1x128xi32, #tpu.memory_space<vmem>>
        %dma_start3A_40 = tpu.memref_squeeze %dma_start3A_39 : memref<1x128xi32, #tpu.memory_space<vmem>> -> memref<128xi32, #tpu.memory_space<vmem>>
        %dma_start3A_41 = tpu.memref_slice %arg4[%add3A_33] : memref<323584xi32, #tpu.memory_space<hbm>> -> memref<128xi32, #tpu.memory_space<hbm>>
        tpu.enqueue_dma source(%dma_start3A_41 : memref<128xi32, #tpu.memory_space<hbm>>) target(%dma_start3A_40 : memref<128xi32, #tpu.memory_space<vmem>>) target_semaphore(%run_scoped3A_34 : memref<!tpu.dma_semaphore, #tpu.memory_space<semaphore_mem>>)
        %dma_wait3A = arith.constant 0 : i32
        %dma_wait3A_42 = tpu.memref_slice %arg9[%run_scoped3A, %dma_wait3A] : memref<1x128xi32, #tpu.memory_space<vmem>> -> memref<1x128xi32, #tpu.memory_space<vmem>>
        %dma_wait3A_43 = tpu.memref_squeeze %dma_wait3A_42 : memref<1x128xi32, #tpu.memory_space<vmem>> -> memref<128xi32, #tpu.memory_space<vmem>>
        %dma_wait3A_44 = tpu.memref_slice %arg4[%add3A_33] : memref<323584xi32, #tpu.memory_space<hbm>> -> memref<128xi32, #tpu.memory_space<hbm>>
        %dma_wait3A_45 = arith.constant 0 : i32
        %dma_wait3A_46 = tpu.memref_slice %arg9[%run_scoped3A, %dma_wait3A_45] : memref<1x128xi32, #tpu.memory_space<vmem>> -> memref<1x128xi32, #tpu.memory_space<vmem>>
        %dma_wait3A_47 = tpu.memref_squeeze %dma_wait3A_46 : memref<1x128xi32, #tpu.memory_space<vmem>> -> memref<128xi32, #tpu.memory_space<vmem>>
        %dma_wait3A_48 = tpu.memref_slice %arg4[%add3A_33] : memref<323584xi32, #tpu.memory_space<hbm>> -> memref<128xi32, #tpu.memory_space<hbm>>
        tpu.wait_dma2 semaphore(%run_scoped3A_34 : memref<!tpu.dma_semaphore, #tpu.memory_space<semaphore_mem>>) src(%dma_wait3A_48 : memref<128xi32, #tpu.memory_space<hbm>>) dst(%dma_wait3A_47 : memref<128xi32, #tpu.memory_space<vmem>>)
        tpu.yield
      }) : () -> ()
      "tpu.region"() ({
        %run_scoped3A_34 = tpu.sem_alloc : memref<!tpu.dma_semaphore, #tpu.memory_space<semaphore_mem>>
        %dma_start3A = tpu.memref_slice %arg5[%add3A_31] : memref<323584xf32, #tpu.memory_space<hbm>> -> memref<128xf32, #tpu.memory_space<hbm>>
        %dma_start3A_35 = tpu.memref_slice %arg5[%add3A_31] : memref<323584xf32, #tpu.memory_space<hbm>> -> memref<128xf32, #tpu.memory_space<hbm>>
        tpu.enqueue_dma source(%dma_start3A_35 : memref<128xf32, #tpu.memory_space<hbm>>) target(%arg10 : memref<128xf32, #tpu.memory_space<vmem>>) target_semaphore(%run_scoped3A_34 : memref<!tpu.dma_semaphore, #tpu.memory_space<semaphore_mem>>)
        %dma_wait3A = tpu.memref_slice %arg5[%add3A_31] : memref<323584xf32, #tpu.memory_space<hbm>> -> memref<128xf32, #tpu.memory_space<hbm>>
        %dma_wait3A_36 = tpu.memref_slice %arg5[%add3A_31] : memref<323584xf32, #tpu.memory_space<hbm>> -> memref<128xf32, #tpu.memory_space<hbm>>
        tpu.wait_dma2 semaphore(%run_scoped3A_34 : memref<!tpu.dma_semaphore, #tpu.memory_space<semaphore_mem>>) src(%dma_wait3A_36 : memref<128xf32, #tpu.memory_space<hbm>>) dst(%arg10 : memref<128xf32, #tpu.memory_space<vmem>>)
        tpu.yield
      }) : () -> ()
    }
    %scan3A_24 = arith.constant 79 : i32
    %barrier3A_25 = arith.constant 0 : index
    tpu.barrier barrier_id(%barrier3A_25)
    "tpu.region"() ({
      %run_scoped3A = tpu.sem_alloc : memref<!tpu.dma_semaphore, #tpu.memory_space<semaphore_mem>>
      %dma_start3A = arith.constant 0 : i32
      %dma_start3A_26 = tpu.memref_slice %arg6[%arg0, %mul3A_8, %dma_start3A] : memref<2x10000x128xf32, #tpu.memory_space<hbm>> -> memref<1x640x128xf32, #tpu.memory_space<hbm>>
      %dma_start3A_27 = tpu.memref_squeeze %dma_start3A_26 : memref<1x640x128xf32, #tpu.memory_space<hbm>> -> memref<640x128xf32, #tpu.memory_space<hbm>>
      %dma_start3A_28 = arith.constant 0 : i32
      %dma_start3A_29 = tpu.memref_slice %arg7[%mul3A_8, %dma_start3A_28] : memref<10000x128xf32, #tpu.memory_space<vmem_shared>> -> memref<640x128xf32, #tpu.memory_space<vmem_shared>>
      tpu.enqueue_dma source(%dma_start3A_29 : memref<640x128xf32, #tpu.memory_space<vmem_shared>>) target(%dma_start3A_27 : memref<640x128xf32, #tpu.memory_space<hbm>>) target_semaphore(%run_scoped3A : memref<!tpu.dma_semaphore, #tpu.memory_space<semaphore_mem>>)
      %dma_wait3A = arith.constant 0 : i32
      %dma_wait3A_30 = tpu.memref_slice %arg6[%arg0, %mul3A_8, %dma_wait3A] : memref<2x10000x128xf32, #tpu.memory_space<hbm>> -> memref<1x640x128xf32, #tpu.memory_space<hbm>>
      %dma_wait3A_31 = tpu.memref_squeeze %dma_wait3A_30 : memref<1x640x128xf32, #tpu.memory_space<hbm>> -> memref<640x128xf32, #tpu.memory_space<hbm>>
      %dma_wait3A_32 = arith.constant 0 : i32
      %dma_wait3A_33 = tpu.memref_slice %arg7[%mul3A_8, %dma_wait3A_32] : memref<10000x128xf32, #tpu.memory_space<vmem_shared>> -> memref<640x128xf32, #tpu.memory_space<vmem_shared>>
      tpu.wait_dma2 semaphore(%run_scoped3A : memref<!tpu.dma_semaphore, #tpu.memory_space<semaphore_mem>>) src(%dma_wait3A_33 : memref<640x128xf32, #tpu.memory_space<vmem_shared>>) dst(%dma_wait3A_31 : memref<640x128xf32, #tpu.memory_space<hbm>>)
      tpu.yield
    }) : () -> ()
    return
  }
}

module attributes {stable_mosaic.version = 14 : i64} {
  func.func @body(%arg0: i32, %arg1: memref<2x1000x128xf32, #tpu.memory_space<vmem>>, %arg2: memref<1000x128xf32, #tpu.memory_space<vmem>>) attributes {dimension_semantics = [#tpu.dimension_semantics<arbitrary>], iteration_bounds = array<i64: 10>, scalar_prefetch = 0 : i64, scratch_operands = 0 : i64, tpu.core_type = #tpu.core_type<tc>, window_params = [{transform_indices = @transform_0, window_bounds = array<i64: 2, 1000, 128>}, {transform_indices = @transform_1, window_bounds = array<i64: 1000, 128>}]} {
    %get3A = arith.constant 0 : index
    %get3A_0 = arith.constant 0 : index
    %get3A_1 = arith.constant 0 : index
    %get3A_2 = vector.load %arg1[%get3A, %get3A_0, %get3A_1] : memref<2x1000x128xf32, #tpu.memory_space<vmem>>, vector<1x1000x128xf32>
    %get3A_3 = vector.shape_cast %get3A_2 : vector<1x1000x128xf32> to vector<1000x128xf32>
    %get3A_4 = arith.constant 1 : index
    %get3A_5 = arith.constant 0 : index
    %get3A_6 = arith.constant 0 : index
    %get3A_7 = vector.load %arg1[%get3A_4, %get3A_5, %get3A_6] : memref<2x1000x128xf32, #tpu.memory_space<vmem>>, vector<1x1000x128xf32>
    %get3A_8 = vector.shape_cast %get3A_7 : vector<1x1000x128xf32> to vector<1000x128xf32>
    %add3A = arith.addf %get3A_3, %get3A_8 : vector<1000x128xf32>
    %swap3A = arith.constant 0 : index
    %swap3A_9 = arith.constant 0 : index
    %swap3A_10 = vector.load %arg2[%swap3A, %swap3A_9] : memref<1000x128xf32, #tpu.memory_space<vmem>>, vector<1000x128xf32>
    tpu.vector_store %arg2[%swap3A, %swap3A_9], %add3A {strides = array<i32>} : memref<1000x128xf32, #tpu.memory_space<vmem>>, vector<1000x128xf32>,
    return
  }
  func.func @transform_0(%arg0: i32) -> (i32, i32, i32) {
    %c0_i32 = arith.constant 0 : i32
    %c0_i32_0 = arith.constant 0 : i32
    %c0_i32_1 = arith.constant 0 : i32
    return %c0_i32, %arg0, %c0_i32_0 : i32, i32, i32
  }
  func.func @transform_1(%arg0: i32) -> (i32, i32) {
    %c0_i32 = arith.constant 0 : i32
    %c0_i32_0 = arith.constant 0 : i32
    return %arg0, %c0_i32 : i32, i32
  }
}

</mosaic_0001>

<sc_bundles>
// kernel: kernel.4.cloned.1.call-start
scs
__scs_entry_jumppad:
0x0: {  	(pc) =	sbr.rel $0x88, $3  }
0x1: {  	(tag) =	ssettag $0x0;
	lr =	simm.s32 $0x1  }
0x2: {  	[smem:$0x3F9E] =	sst lr;
	_ =	strace $0xD0000000  }
0x3: {  	_ = 	snop  }
0x4: {  	_ = 	snop  }
0x5: {  	_ = 	snop  }
0x6: {  	_ = 	snop  }
0x7: {  	_ = 	snop  }
__scs_overlays_trampoline_lowered:
0x8: {  	[smem:$0x3FAD] =	sst s0  }
0x9: {  	[smem:$0x3FAE] =	sst s1  }
0xa: {  	[smem:$0x3FAF] =	sst s2  }
0xb: {  	[smem:$0x3FB0] =	sst s3  }
0xc: {  	[smem:$0x3FB1] =	sst s4  }
0xd: {  	[smem:$0x3FB2] =	sst s5  }
0xe: {  	[smem:$0x3FB3] =	sst s6  }
0xf: {  	[smem:$0x3FB4] =	sst s7  }
0x10: {  	[smem:$0x3FB5] =	sst s8  }
0x11: {  	[smem:$0x3FB6] =	sst s9;
	s0 =	simm.s32 @!p0 $0x0  }
0x12: {  	s1 =	sld [smem:$0x3F9C];
	s0 =	simm.s32 @p0 $0x1  }
0x13: {  	[smem:$0x3FB7] =	sst s0;
	s0 =	simm.s32 @!p1 $0x0  }
0x14: {  	s2 =	sld [smem:$0x3F9B];
	s0 =	simm.s32 @p1 $0x1  }
0x15: {  	[smem:$0x3FB8] =	sst s0;
	s0 =	simm.s32 @!p2 $0x0  }
0x16: {  	s3 =	sld [smem:$0x3FDB];
	s0 =	simm.s32 @p2 $0x1  }
0x17: {  	s4 =	simm.s32 $0x1BF5;
	[smem:$0x3FBA] =	sst s0  }
0x18: {  	s0 =	sld [smem:$0x3F9D];
	_ =	swait.ge [sflag:s4], $0x0  }
0x19: {  	s7 =	sld [smem:$0x3F9E]  }
0x1a: {  	s8 =	sadd.s32 $0xFFFFE003, lr  }
0x1b: {  	s9 =	sadd.s32 $0xFFFFFEF7, lr;
	s5 =	simm.s32 $0xFFFFFFFF;
	p2 =	slt.u32 s8, $0xFFFFF086  }
0x1c: {  	p1 =	slt.u32 s9, $0xF7A;
	s5 =	simm.s32 @!p2 $0x0  }
0x1d: {  	s5 =	simm.s32 @p1 $0x1;
	p0 =	seq.s32 s7, s2  }
0x1e: {  	s7 =	smul.u32 @!p0 $0xF7A, s2;
	p2 =	seq.s32 @!p0 s5, $0x0  }
0x1f: {  	s9 =	smul.u32 $0xF7A, s1;
	s8 =	simm.s32 @!p0 $0x1BF5;
	p2 =	por !p2, p0  }
0x20: {  	[sflag:s8] =	ssyncset.s32 @!p0 $0xFFFFF086;
	s6 =	sadd.s32 @!p0 s3, s7;
	s7 =	simm.s32 @!p0 $0x108  }
0x21: {  	s3 =	sadd.s32 s3, s9;
	s6 =	sadd.s32 @!p0 $0x88, s6;
	s7 =	simm.s32 @p2 $0x1082  }
0x22: {  	[simem:s7], [sflag:s8] =	dma.local @!p0 [hbm:s6], $0xF7A  }
0x23: {  	s9 =	sor.u32 $0xD0000000, s2;
	s6 =	simm.s32 $0x108;
	_ =	swait.ge @!p0 [sflag:s8], $0x0  }
0x24: {  	s3 =	sadd.s32 $0x88, s3;
	s6 =	simm.s32 @!p1 $0x1082;
	[sflag:s4] =	ssyncset.s32 $0xFFFFF086  }
0x25: {  	[simem:s6], [sflag:s4] =	dma.local [hbm:s3], $0xF7A  }
0x26: {  	[smem:$0x3F9E] =	sst s1;
	(tag) =	ssettag s2;
	_ =	strace s9  }
0x27: {  	s1 =	sld [smem:$0x3FAE]  }
0x28: {  	s2 =	sld [smem:$0x3FAF]  }
0x29: {  	s4 =	sld [smem:$0x3FB1]  }
0x2a: {  	p0 =	seq.s32 s5, $0x0;
	s5 =	sld [smem:$0x3FB2]  }
0x2b: {  	s6 =	sld [smem:$0x3FB3]  }
0x2c: {  	s7 =	sld [smem:$0x3FB4]  }
0x2d: {  	s3 =	simm.s32 $0x108;
	s8 =	sld [smem:$0x3FB5]  }
0x2e: {  	s3 =	simm.s32 @!p0 $0x1082;
	s9 =	sld [smem:$0x3FB6]  }
0x2f: {  	lr =	sadd.s32 s0, s3;
	s0 =	sld [smem:$0x3FAD]  }
0x30: {  	s3 =	sld [smem:$0x3FB0]  }
0x31: {  	[smem:$0x3FB9] =	sst s10  }
0x32: {  	s10 =	sld [smem:$0x3FB7];
	_ =	sdelay $0x3  }
0x33: {  	p0 =	seq.s32 s10, $0x1;
	s10 =	sld [smem:$0x3FB9];
	_ =	sdelay $0x3  }
0x34: {  	[smem:$0x3FB9] =	sst s10  }
0x35: {  	s10 =	sld [smem:$0x3FB8];
	_ =	sdelay $0x3  }
0x36: {  	p1 =	seq.s32 s10, $0x1;
	s10 =	sld [smem:$0x3FB9];
	_ =	sdelay $0x3  }
0x37: {  	[smem:$0x3FB9] =	sst s10  }
0x38: {  	s10 =	sld [smem:$0x3FBA]  }
0x39: {  	_ = 	snop;
	(pc) =	sbr.ind lr, $3  }
0x3a: {  	_ = 	snop  }
0x3b: {  	_ = 	snop  }
0x3c: {  	p2 =	seq.s32 s10, $0x1;
	s10 =	sld [smem:$0x3FB9]  }
0x3d: {  	_ =	shalt  }
0x3e: {  	_ =	shalt  }
0x3f: {  	_ =	shalt  }
0x40: {  	_ =	shalt  }
0x41: {  	_ =	shalt  }
0x42: {  	_ =	shalt  }
0x43: {  	_ =	shalt  }
0x44: {  	_ =	shalt  }
0x45: {  	_ =	shalt  }
0x46: {  	_ =	shalt  }
0x47: {  	_ =	shalt  }
0x48: {  	_ =	shalt  }
0x49: {  	_ =	shalt  }
0x4a: {  	_ =	shalt  }
0x4b: {  	_ =	shalt  }
0x4c: {  	_ =	shalt  }
0x4d: {  	_ =	shalt  }
0x4e: {  	_ =	shalt  }
0x4f: {  	_ =	shalt  }
0x50: {  	_ =	shalt  }
0x51: {  	_ =	shalt  }
0x52: {  	_ =	shalt  }
0x53: {  	_ =	shalt  }
0x54: {  	_ =	shalt  }
0x55: {  	_ =	shalt  }
0x56: {  	_ =	shalt  }
0x57: {  	_ =	shalt  }
0x58: {  	_ =	shalt  }
0x59: {  	_ =	shalt  }
0x5a: {  	_ =	shalt  }
0x5b: {  	_ =	shalt  }
0x5c: {  	_ =	shalt  }
0x5d: {  	_ =	shalt  }
0x5e: {  	_ =	shalt  }
0x5f: {  	_ =	shalt  }
0x60: {  	_ =	shalt  }
0x61: {  	_ =	shalt  }
0x62: {  	_ =	shalt  }
0x63: {  	_ =	shalt  }
0x64: {  	_ =	shalt  }
0x65: {  	_ =	shalt  }
0x66: {  	_ =	shalt  }
0x67: {  	_ =	shalt  }
0x68: {  	_ =	shalt  }
0x69: {  	_ =	shalt  }
0x6a: {  	_ =	shalt  }
0x6b: {  	_ =	shalt  }
0x6c: {  	_ =	shalt  }
0x6d: {  	_ =	shalt  }
0x6e: {  	_ =	shalt  }
0x6f: {  	_ =	shalt  }
0x70: {  	_ =	shalt  }
0x71: {  	_ =	shalt  }
0x72: {  	_ =	shalt  }
0x73: {  	_ =	shalt  }
0x74: {  	_ =	shalt  }
0x75: {  	_ =	shalt  }
0x76: {  	_ =	shalt  }
0x77: {  	_ =	shalt  }
0x78: {  	_ =	shalt  }
0x79: {  	_ =	shalt  }
0x7a: {  	_ =	shalt  }
0x7b: {  	_ =	shalt  }
0x7c: {  	_ =	shalt  }
0x7d: {  	_ =	shalt  }
0x7e: {  	_ =	shalt  }
0x7f: {  	_ =	shalt  }
0x80: {  	_ =	shalt  }
0x81: {  	_ =	shalt  }
0x82: {  	_ =	shalt  }
0x83: {  	_ =	shalt  }
0x84: {  	_ =	shalt  }
0x85: {  	_ =	shalt  }
0x86: {  	_ =	shalt  }
0x87: {  	_ =	shalt  }
.Lfunc_end0:
.L_simem_size_0:
called_computation_lowered:
.L_overlay_start_0:
0x88: {  	s2 =	sld [smem:$0x3FD9]  }
0x89: {  	s3 =	sld [smem:$0x3FFE];
	_ =	sdelay $0x1  }
0x8a: {  	s1 =	srdreg.scid  }
0x8b: {  	s0 =	sand.u32 $0x1, s1  }
0x8c: {  	s17 =	sshll.u32 s0, $0xA;
	s2 =	sadd.s32 s3, s2  }
0x8d: {  	s2 =	sadd.s32 s2, s17  }
0x8e: {  	[smem:$0x3FC5] =	sst s2  }
0x8f: {  	_ = 	snop  }
0x90: {  	s2 =	sld [smem:$0x3FD0];
	(tm) =	ssettm $0x1  }
0x91: {  	s18 =	sld [smem:$0x3FFB];
	_ =	sdelay $0x3  }
0x92: {  	_ =	strace s18  }
0x93: {  	s3 =	sld [smem:$0x3FFC];
	_ =	sdelay $0x3  }
0x94: {  	_ =	strace s3  }
0x95: {  	s3 =	sld [smem:$0x3FFD];
	_ =	sdelay $0x3  }
0x96: {  	_ =	strace s3  }
0x97: {  	_ =	strace $0x8FFFFFFF  }
0x98: {  	s19 =	sld [smem:$0x3FDB];
	_ =	sdelay $0x1  }
0x99: {  	s4 =	simm.s32 $_scs_section_size  }
0x9a: {  	s5 =	simm.s32 $_size__tile_overlayer_lowered;
	s6 =	simm.s32 $_tile_overlayer_lowered  }
0x9b: {  	s22 =	simm.s32 $0x1BFF;
	s21 =	sshll.u32 s6, $0x1;
	s3 =	sadd.s32 s4, s19  }
0x9c: {  	s7 =	simm.s32 $0x0;
	s20 =	sshll.u32 s5, $0x1;
	s5 =	sadd.s32 s21, s3  }
0x9d: {  	[timem:s7], [sflag:s22] =	dma.local [hbm:s5], s20  }
0x9e: {  	_ =	swait.ge [sflag:s22], s20  }
0x9f: {  	s4 =	ssub.s32 $0x0, s20;
	[sflag:s22] =	ssyncset.done $0x0  }
0xa0: {  	[sflag:s22] =	ssyncadd.s32 s4;
	_ =	sdelay $0x1  }
0xa1: {  	s23 =	simm.s32 $0x1B8B  }
0xa2: {  	_ =	swait.ge [sflag:s23], $0x1  }
0xa3: {  	[sflag:s23] =	ssyncset.done $0x0  }
0xa4: {  	s25 =	simm.s32 $0x1B8E;
	s24 =	sld [smem:$0x3FFE];
	[sflag:s23] =	ssyncadd.s32 $0xFFFFFFFF  }
0xa5: {  	s26 =	simm.s32 $execute0_lowered;
	[smem:$0x3FD2] =	sst s25  }
0xa6: {  	s5 =	sshll.u32 s26, $0x1;
	_ =	strace $0x80000046;
	[dreg:$0x1] =	wrdreg $0xFFFFFFFF  }
0xa7: {  	s28 =	simm.s32 $_size_execute0_lowered;
	s3 =	sadd.s32 s3, s5;
	[dreg:$0x0] =	wrdreg $0x0  }
0xa8: {  	s5 =	sshll.u32 s28, $0x1;
	[dreg:$0x2] =	wrdreg s3  }
0xa9: {  	[dreg:$0x3] =	wrdreg s5  }
0xaa: {  	[dreg:$0x4] =	wrdreg $0xC0  }
0xab: {  	_ =	task [dreg:s7], $0x5FFFF  }
0xac: {  	[dreg:$0x1] =	wrdreg $0xFFFFFFFF  }
0xad: {  	[dreg:$0x0] =	wrdreg $0x60  }
0xae: {  	[dreg:$0x2] =	wrdreg s2  }
0xaf: {  	[dreg:$0x3] =	wrdreg s24  }
0xb0: {  	[dreg:$0x4] =	wrdreg $0x0  }
0xb1: {  	[dreg:$0x5] =	wrdreg $0x9  }
0xb2: {  	_ =	task.clear_ibuf [dreg:s7], $0x6FFFF;
	_ =	strace $0x90000046  }
0xb3: {  	s29 =	simm.s32 $0x9;
	_ =	strace $0x80000048  }
0xb4: {  	_ =	swait.ge [sflag:s29], $0x1  }
0xb5: {  	[sflag:s29] =	ssyncadd.s32 $0xFFFFFFFF  }
0xb6: {  	_ =	strace $0x90000048  }
0xb7: {  	_ =	sfence  }
0xb8: {  	s30 =	sld [smem:$0x0];
	_ =	sdelay $0x2  }
0xb9: {  	s31 =	sshll.u32 s1, $0xD;
	s1 =	sshrl.u32 s1, $0x2  }
0xba: {  	s3 =	sand.u32 $0x4000, s31;
	s1 =	sadd.s32 s1, s30  }
0xbb: {  	s0 =	sor.u32 s3, s0;
	s1 =	sshll.u32 s1, $0x11  }
0xbc: {  	s0 =	sor.u32 s1, s0  }
0xbd: {  	s0 =	sadd.s32 $0x8F2B, s0  }
0xbe: {  	[sflag:s0] =	ssyncadd.remote.s32 $0x1  }
0xbf: {  	_ =	sfence.sel $0xFFFF  }
0xc0: {  	[dreg:$0x0] =	wrdreg $0xFFFFFFFF;
	(pc) =	sbr.abs _section_cstart, $3  }
0xc1: {  	[dreg:$0x1] =	wrdreg $0xFFFFFFFF  }
0xc2: {  	_ =	task.clear_ibuf [dreg:s7], $0x2FFFF;
	_ =	strace $0x9FFFFFFF  }
0xc3: {  	(tm) =	ssettm $0x7FFFFFFF  }
tec
execute0_lowered:
.L_overlay_start_1:
0x0: {  	(tag) =	ssettag $0x1  }
0x1: {  	s10 =	rddreg [dreg:$0x0]  }
0x2: {  	s8 =	rddreg [dreg:$0x1]  }
0x3: {  	s0 =	srdreg.scid;
	s4 =	rddreg [dreg:$0x2]  }
0x4: {  	s1 =	rddreg [dreg:$0x3];
	s2 =	simm.s32 $0x0;
	s6 =	sand.u32 $0x1, s0  }
0x5: {  	s15 =	simm.s32 $0x13880;
	s0 =	stileid.u32;
	s3 =	smul.u32 $0x138800, s6  }
0x6: {  	s16 =	simm.s32 $0x13900;
	s17 =	simm.s32 $0x13980;
	s5 =	smul.u32 $0x13800, s0  }
0x7: {  	s20 =	simm.s32 $0x0;
	[smem:$0x7FF] =	sst s2;
	s30 =	smul.u32 $0x4E000, s0  }
0x8: {  	_ =	strace $0x80000047;
	s7 =	ssub.s32 $0x2, s6;
	s12 =	smul.u32 $0x9E0, s0  }
0x9: {  	s13 =	smul.u32 $0x4F0, s6;
	s18 =	sshll.u32 s0, $0x6;
	s31 =	sshrl.u32 s7, $0x1  }
0xa: {  	s18 =	sor.u32 $0x1C01, s18;
	s3 =	sadd.s32 s5, s3;
	s5 =	sshrl.u32 s30, $0x2  }
0xb: {  	s11 =	ssub.s32 s7, s31;
	s14 =	sadd.s32 s12, s8;
	s3 =	sshrl.u32 s3, $0x3  }
0xc: {  	s12 =	sadd.s32 s12, s10;
	s9 =	sadd.s32 s3, s8;
	s3 =	sadd.s32 s5, s4  }
0xd: {  	s10 =	smax.u32 s11, $0x1;
	s12 =	sadd.s32 s13, s12;
	s4 =	sadd.s32 $0x4000, s3  }
0xe: {  	s5 =	sadd.s32 $0x8000, s3;
	s6 =	sadd.s32 $0xC000, s3;
	s7 =	sadd.s32 $0x10000, s3  }
0xf: {  	s8 =	sadd.s32 $0x13C00, s9;
	s9 =	sadd.s32 s13, s14;
	s13 =	simm.s32 $0x13A00  }
0x10: {  	v0 =	vimm.f32 $0.0e+00;
	s14 =	simm.s32 $0x1;
	s19 =	sshrl.u32 s3, $0x3;
	s11 =	sadd.s32 $0x9E00, s9  }
.LBB2_1:
0x11: {  	s21 =	simm.s32 $0x0;
	s22 =	simm.s32 $0x200  }
.LBB2_2:
0x12: {  	p0 =	sne.s32 s22, $0xFE00;
	[tilespmem:s21+$0x13A70] =	vst v0  }
0x13: {  	[tilespmem:s21+$0x13A00] =	vst v0  }
0x14: {  	[tilespmem:s21+$0x13A10] =	vst v0  }
.Ltmp0:
0x15: {  	[tilespmem:s21+$0x13A20] =	vst v0;
	(pc) =	sbr.rel @p0 .LBB2_2-.Ltmp0, $4  }
0x16: {  	[tilespmem:s21+$0x13A30] =	vst v0  }
0x17: {  	[tilespmem:s21+$0x13A40] =	vst v0  }
0x18: {  	[tilespmem:s21+$0x13A50] =	vst v0  }
0x19: {  	[tilespmem:s21+$0x13A60] =	vst v0;
	s21 =	sshra.s32 s22, $0x2;
	s22 =	sadd.s32 $0x200, s22  }
0x1a: {  	[tilespmem:s21+$0x13A70] =	vst v0  }
0x1b: {  	[tilespmem:s21+$0x13A00] =	vst v0  }
0x1c: {  	[tilespmem:s21+$0x13A10] =	vst v0  }
0x1d: {  	[tilespmem:s21+$0x13A20] =	vst v0  }
0x1e: {  	[tilespmem:s21+$0x13A30] =	vst v0  }
0x1f: {  	[tilespmem:s21+$0x13A40] =	vst v0  }
0x20: {  	[tilespmem:s21+$0x13A50] =	vst v0  }
0x21: {  	[tilespmem:s21+$0x13A60] =	vst v0  }
0x22: {  	[spmem:s3] =	stream.linear.scatter [tilespmem:s13], [sflag:$0x1], $0x4000, $0x38;
	[tilespmem:$0x17A00] =	vst v63  }
0x23: {  	_ =	swait.ge [sflag:s14], $0x4000  }
0x24: {  	[sflag:s14] =	ssyncset.done $0x0  }
0x25: {  	[sflag:s14] =	ssyncadd.s32 $0xFFFFC000  }
0x26: {  	[spmem:s4] =	stream.linear.scatter [tilespmem:s13], [sflag:$0x1], $0x4000, $0x38;
	[tilespmem:$0x17A00] =	vst v63  }
0x27: {  	_ =	swait.ge [sflag:s14], $0x4000  }
0x28: {  	[sflag:s14] =	ssyncset.done $0x0  }
0x29: {  	[sflag:s14] =	ssyncadd.s32 $0xFFFFC000  }
0x2a: {  	[spmem:s5] =	stream.linear.scatter [tilespmem:s13], [sflag:$0x1], $0x4000, $0x38;
	[tilespmem:$0x17A00] =	vst v63  }
0x2b: {  	_ =	swait.ge [sflag:s14], $0x4000  }
0x2c: {  	[sflag:s14] =	ssyncset.done $0x0  }
0x2d: {  	[sflag:s14] =	ssyncadd.s32 $0xFFFFC000  }
0x2e: {  	[spmem:s6] =	stream.linear.scatter [tilespmem:s13], [sflag:$0x1], $0x4000, $0x38;
	[tilespmem:$0x17A00] =	vst v63  }
0x2f: {  	_ =	swait.ge [sflag:s14], $0x4000  }
0x30: {  	[sflag:s14] =	ssyncset.done $0x0  }
0x31: {  	[sflag:s14] =	ssyncadd.s32 $0xFFFFC000  }
0x32: {  	[spmem:s7] =	stream.linear.scatter [tilespmem:s13], [sflag:$0x1], $0x4000, $0x38;
	[tilespmem:$0x17A00] =	vst v63  }
0x33: {  	_ =	swait.ge [sflag:s14], $0x4000  }
0x34: {  	[sflag:s14] =	ssyncset.done $0x0  }
0x35: {  	[sflag:s14] =	ssyncadd.s32 $0xFFFFC000  }
0x36: {  	s29 =	sadd.s32 $0x0, s12;
	[bflag:$0x0] =	sbarrier.arrive $0xFFFF  }
0x37: {  	[tilespmem:s15], [sflag:$0x1] =	stream.linear.gather [hbm4b:s29+s2], $0x80, $0x38;
	[tilespmem:$0x17A00] =	vst v63  }
0x38: {  	_ =	swait.ge [sflag:s14], $0x80  }
0x39: {  	[sflag:s14] =	ssyncset.done $0x0  }
0x3a: {  	s30 =	sadd.s32 $0x0, s9;
	[sflag:s14] =	ssyncadd.s32 $0xFFFFFF80  }
0x3b: {  	[tilespmem:s16], [sflag:$0x1] =	stream.linear.gather [hbm4b:s30+s2], $0x80, $0x38;
	[tilespmem:$0x17A00] =	vst v63  }
0x3c: {  	_ =	swait.ge [sflag:s14], $0x80  }
0x3d: {  	[sflag:s14] =	ssyncset.done $0x0  }
0x3e: {  	s31 =	sadd.s32 $0x0, s11;
	[sflag:s14] =	ssyncadd.s32 $0xFFFFFF80  }
0x3f: {  	[tilespmem:s17], [sflag:$0x1] =	stream.linear.gather [hbm4b:s31+s2], $0x80, $0x38;
	[tilespmem:$0x17A00] =	vst v63  }
0x40: {  	_ =	swait.ge [sflag:s14], $0x80  }
0x41: {  	s21 =	simm.s32 $0x10;
	s22 =	simm.s32 $0x20;
	[sflag:s14] =	ssyncset.done $0x0  }
.LBB2_4:
0x42: {  	s23 =	sadd.s32 s21, s12  }
0x43: {  	[sflag:s14] =	ssyncadd.s32 $0xFFFFFF80;
	s24 =	smov.u32 s22;
	s25 =	sadd.s32 $0x10, s22  }
0x44: {  	[tilespmem:s15], [sflag:$0x1] =	stream.linear.gather [hbm4b:s23+s2], $0x80, $0x38;
	[tilespmem:$0x17A00] =	vst v63  }
0x45: {  	p0 =	sne.s32 s22, $0x4E0;
	_ =	swait.ge [sflag:s14], $0x80  }
0x46: {  	[sflag:s14] =	ssyncset.done $0x0  }
0x47: {  	s22 =	sadd.s32 s21, s9;
	[sflag:s14] =	ssyncadd.s32 $0xFFFFFF80  }
0x48: {  	[tilespmem:s16], [sflag:$0x1] =	stream.linear.gather [hbm4b:s22+s2], $0x80, $0x38;
	[tilespmem:$0x17A00] =	vst v63  }
0x49: {  	_ =	swait.ge [sflag:s14], $0x80  }
.Ltmp1:
0x4a: {  	[sflag:s14] =	ssyncset.done $0x0;
	(pc) =	sbr.rel @p0 .LBB2_4-.Ltmp1, $4  }
0x4b: {  	s22 =	sadd.s32 s21, s11;
	s21 =	smov.u32 s24;
	[sflag:s14] =	ssyncadd.s32 $0xFFFFFF80  }
0x4c: {  	[tilespmem:s17], [sflag:$0x1] =	stream.linear.gather [hbm4b:s22+s2], $0x80, $0x38;
	[tilespmem:$0x17A00] =	vst v63  }
0x4d: {  	_ =	swait.ge [sflag:s14], $0x80  }
0x4e: {  	s22 =	smov.u32 s25;
	[sflag:s14] =	ssyncset.done $0x0  }
0x4f: {  	s22 =	sadd.s32 s21, s12;
	[sflag:s14] =	ssyncadd.s32 $0xFFFFFF80  }
0x50: {  	[tilespmem:s15], [sflag:$0x1] =	stream.linear.gather [hbm4b:s22+s2], $0x80, $0x38;
	[tilespmem:$0x17A00] =	vst v63  }
0x51: {  	_ =	swait.ge [sflag:s14], $0x80  }
0x52: {  	[sflag:s14] =	ssyncset.done $0x0  }
0x53: {  	s30 =	sadd.s32 s21, s9;
	[sflag:s14] =	ssyncadd.s32 $0xFFFFFF80  }
0x54: {  	[tilespmem:s16], [sflag:$0x1] =	stream.linear.gather [hbm4b:s30+s2], $0x80, $0x38;
	[tilespmem:$0x17A00] =	vst v63  }
0x55: {  	_ =	swait.ge [sflag:s14], $0x80  }
0x56: {  	[sflag:s14] =	ssyncset.done $0x0  }
0x57: {  	s31 =	sadd.s32 s21, s11;
	[sflag:s14] =	ssyncadd.s32 $0xFFFFFF80  }
0x58: {  	[tilespmem:s17], [sflag:$0x1] =	stream.linear.gather [hbm4b:s31+s2], $0x80, $0x38;
	[tilespmem:$0x17A00] =	vst v63  }
0x59: {  	_ =	swait.ge [sflag:s14], $0x80  }
0x5a: {  	s20 =	sadd.s32 $0x1, s20;
	[sflag:s14] =	ssyncset.done $0x0  }
0x5b: {  	p0 =	sne.s32 s20, s10;
	[sflag:s14] =	ssyncadd.s32 $0xFFFFFF80  }
.Ltmp2:
0x5c: {  	[bflag:$0x0] =	sbarrier.arrive $0xFFFF;
	(pc) =	sbr.rel @p0 .LBB2_1-.Ltmp2, $4  }
0x5d: {  	[hbm:s8], [sflag:s18] =	dma.local [spmem:s19], $0x2800  }
0x5e: {  	_ =	swait.ge [sflag:s14], $0x2800  }
0x5f: {  	[sflag:s14] =	ssyncset.done $0x0  }
0x60: {  	[sflag:s14] =	ssyncadd.s32 $0xFFFFD800  }
0x61: {  	_ =	sfence.sel $0x180000  }
0x62: {  	[bflag:$0x0] =	sbarrier.arrive $0xFFFF  }
0x63: {  	p0 =	sne.s32 s0, $0x0;
	_ =	strace $0x90000047  }
0x64: {  	s0 =	sadd.s32 @!p0 $0x100000, s1;
	[bflag:$0x2] =	sbarrier.arrive $0xFFFF  }
0x65: {  	[sflag:s0] =	ssyncadd.tile.s32 @!p0 $0x1;
	_ =	shalt  }
.Lfunc_end2:
_tile_overlayer_lowered:
.L_overlay_start_2:
0x66: {  	(tag) =	ssettag $0x2  }
0x67: {  	s0 =	rddreg [dreg:$0x0];
	s2 =	stileid.u32  }
0x68: {  	s1 =	rddreg [dreg:$0x1];
	p0 =	sne.s32 s2, $0x0  }
0x69: {  	s3 =	rddreg [dreg:$0x2];
	[bflag:$0x3] =	sbarrier.arrive $0xFFFF;
	s2 =	simm.s32 @!p0 $0x1C01  }
0x6a: {  	[timem:s3], [sflag:s2] =	dma.local @!p0 [hbm:s0], s1  }
0x6b: {  	s0 =	simm.s32 @!p0 $0x1  }
0x6c: {  	_ =	swait.ge @!p0 [sflag:s0], s1  }
0x6d: {  	s1 =	ssub.s32 @!p0 $0x0, s1;
	[sflag:s0] =	ssyncset.done @!p0 $0x0  }
0x6e: {  	[sflag:s0] =	ssyncadd.s32 @!p0 s1  }
0x6f: {  	[bflag:$0x3] =	sbarrier.arrive $0xFFFF  }
0x70: {  	_ =	shalt  }

</sc_bundles>
